<compile_context>
chip_gen: v7x
topology: tpu7x:2x2x1
jax: 0.10.2.dev20260603
libtpu: 0.0.44.dev20260713+nightly
codegen_flags: <defaults>
</compile_context>

<pallas_src>
import functools

import jax
import jax.numpy as jnp
from jax import lax
from jax.experimental import pallas as pl
from jax.experimental.pallas import tpu as pltpu
from jax.experimental.pallas import tpu_sc as plsc

N_ATOM_TYPES = 100
EMBED_DIM = 128
N_ATOMS = 50000
N_EDGES = 800000
RBF_FINAL = 5.0
RBF_NUM_CENTERS = 100
RBF_WIDTH = 0.5

_NUM_CORES = 2
_NUM_SUBCORES = 16
_NW = _NUM_CORES * _NUM_SUBCORES

_ROWS_PER_W = 1568
_CHUNK = 784
_N_CHUNKS = _ROWS_PER_W // _CHUNK


def _gather_body(idx_hbm, table_hbm, out_hbm, idx_v, rows_v, sem):
    wid = lax.axis_index("s") * _NUM_CORES + lax.axis_index("c")
    base = jnp.minimum(wid * _ROWS_PER_W, N_ATOMS - _ROWS_PER_W)
    for c in range(_N_CHUNKS):
        start = base + c * _CHUNK
        pltpu.sync_copy(idx_hbm.at[pl.ds(start, _CHUNK)], idx_v)
        pltpu.async_copy(table_hbm.at[idx_v], rows_v, sem).wait()
        pltpu.sync_copy(rows_v, out_hbm.at[pl.ds(start, _CHUNK)])


def _gather_sc(atom_features, emb_table):
    mesh = plsc.VectorSubcoreMesh(core_axis_name="c", subcore_axis_name="s")
    kfn = pl.kernel(
        _gather_body,
        out_type=jax.ShapeDtypeStruct((N_ATOMS, EMBED_DIM), jnp.float32),
        mesh=mesh,
        scratch_types=[
            pltpu.VMEM((_CHUNK,), jnp.int32),
            pltpu.VMEM((_CHUNK, EMBED_DIM), jnp.float32),
            pltpu.SemaphoreType.DMA,
        ],
    )
    return kfn(atom_features, emb_table)


_RBF_E = 16000


def _rbf_body(d_ref, c_ref, o_ref):
    d = d_ref[...]
    c = c_ref[...]
    diff = d - c
    o_ref[...] = jnp.exp2(-(diff * diff))


def _rbf_tc(bond_features):
    n_blocks = N_EDGES // _RBF_E
    a = jnp.float32(jnp.sqrt(jnp.log2(jnp.exp(1.0))) / RBF_WIDTH)
    d_row = (bond_features * a).reshape(1, N_EDGES)
    c_col = (jnp.linspace(0.0, RBF_FINAL, RBF_NUM_CENTERS,
                          dtype=jnp.float32) * a).reshape(RBF_NUM_CENTERS, 1)
    out_t = pl.pallas_call(
        _rbf_body,
        grid=(n_blocks,),
        in_specs=[
            pl.BlockSpec((1, _RBF_E), lambda i: (0, i)),
            pl.BlockSpec((RBF_NUM_CENTERS, 1), lambda i: (0, 0)),
        ],
        out_specs=pl.BlockSpec((RBF_NUM_CENTERS, _RBF_E), lambda i: (0, i)),
        out_shape=jax.ShapeDtypeStruct((RBF_NUM_CENTERS, N_EDGES),
                                       jnp.float32),
    )(d_row, c_col)
    return out_t.T


def kernel(atom_features, bond_features, state_features, emb_table):
    atom_emb = _gather_sc(atom_features.astype(jnp.int32), emb_table)
    bond_emb = _rbf_tc(bond_features)
    return (atom_emb, bond_emb, state_features)

# --- scband reference (transcript-rebuilt; emitter-appended) ---
"""Pipeline reference for scband-graph-featurizer-50878182588781 (READ-ONLY COPY).

The authoritative reference and input builder live on the scoring server;
editing this copy changes nothing except your own understanding.
"""

import jax, jax.numpy as jnp
import numpy as np

N_ATOM_TYPES = 100
EMBED_DIM = 128
N_ATOMS = 50000
N_EDGES = 800000
RBF_INITIAL = 0.0
RBF_FINAL = 5.0
RBF_NUM_CENTERS = 100
RBF_WIDTH = 0.5


def setup_inputs(seed: int = 0) -> dict:
    key = jax.random.key(seed)
    k1, k2, k3, k4 = jax.random.split(key, 4)
    atom_features = jax.random.randint(k1, (N_ATOMS,), 0, N_ATOM_TYPES, dtype=jnp.int64) if jax.config.jax_enable_x64 else jax.random.randint(k1, (N_ATOMS,), 0, N_ATOM_TYPES, dtype=jnp.int32)
    bond_features = jax.random.uniform(k2, (N_EDGES,), dtype=jnp.float32) * RBF_FINAL
    state_features = jax.random.normal(k3, (1, 64), dtype=jnp.float32)
    emb_table = jax.random.normal(k4, (N_ATOM_TYPES, EMBED_DIM), dtype=jnp.float32) * 0.02
    return {
        "atom_features": atom_features,
        "bond_features": bond_features,
        "state_features": state_features,
        "emb_table": emb_table,
    }


def gaussian_basis(d, initial=RBF_INITIAL, final=RBF_FINAL, num_centers=RBF_NUM_CENTERS, width=RBF_WIDTH):
    centers = jnp.linspace(initial, final, num_centers, dtype=jnp.float32)
    diff = d[:, None] - centers[None, :]
    return jnp.exp(-(diff ** 2) / (width ** 2))


def reference(atom_features, bond_features, state_features, emb_table):
    # AtomEmbedding: embedding-table gather on atomic-number indices
    atom_emb = jnp.take(emb_table, atom_features, axis=0)
    # GaussianBasis: expand scalar bond distances into Gaussian RBF features
    bond_emb = gaussian_basis(bond_features)
    # state features pass through unchanged
    return (atom_emb, bond_emb, state_features)

if __name__ == "__main__":
    import jax
    _d = setup_inputs()
    print(jax.jit(kernel)(*tuple(_d.values())))

</pallas_src>

<mosaic_0001>
#map = affine_map<(d0, d1) -> (0)>
#map1 = affine_map<(d0, d1) -> (0, 0)>
module attributes {stable_mosaic.version = 14 : i64} {
  func.func @_gather_body(%arg0: i32, %arg1: i32, %arg2: memref<50000xi32, #tpu.memory_space<hbm>>, %arg3: memref<100x128xf32, #tpu.memory_space<hbm>>, %arg4: memref<50000x128xf32, #tpu.memory_space<hbm>>, %arg5: memref<784xi32, #tpu.memory_space<vmem>>, %arg6: memref<784x128xf32, #tpu.memory_space<vmem>>, %arg7: memref<!tpu.dma_semaphore, #tpu.memory_space<semaphore_mem>>) attributes {dimension_semantics = [#tpu.dimension_semantics<core_parallel>, #tpu.dimension_semantics<subcore_parallel>], iteration_bounds = array<i64: 2, 16>, scalar_prefetch = 0 : i64, scratch_operands = 3 : i64, tpu.core_type = #tpu.core_type<sc_vector_subcore>, window_params = [{transform_indices = #map}, {transform_indices = #map1}, {transform_indices = #map1}]} {
    %mul3A = arith.constant 2 : i32
    %mul3A_0 = arith.muli %arg1, %mul3A : i32
    %add3A = arith.addi %mul3A_0, %arg0 : i32
    %mul3A_1 = arith.constant 1568 : i32
    %mul3A_2 = arith.muli %add3A, %mul3A_1 : i32
    %min3A = arith.constant 48432 : i32
    %min3A_3 = arith.minsi %mul3A_2, %min3A : i32
    %add3A_4 = arith.constant 0 : i32
    %add3A_5 = arith.addi %min3A_3, %add3A_4 : i32
    "tpu.region"() ({
      %run_scoped3A = tpu.sem_alloc : memref<!tpu.dma_semaphore, #tpu.memory_space<semaphore_mem>>
      %dma_start3A_18 = tpu.memref_slice %arg2[%add3A_5] : memref<50000xi32, #tpu.memory_space<hbm>> -> memref<784xi32, #tpu.memory_space<hbm>>
      %dma_start3A_19 = tpu.memref_slice %arg2[%add3A_5] : memref<50000xi32, #tpu.memory_space<hbm>> -> memref<784xi32, #tpu.memory_space<hbm>>
      tpu.enqueue_dma source(%dma_start3A_19 : memref<784xi32, #tpu.memory_space<hbm>>) target(%arg5 : memref<784xi32, #tpu.memory_space<vmem>>) target_semaphore(%run_scoped3A : memref<!tpu.dma_semaphore, #tpu.memory_space<semaphore_mem>>)
      %dma_wait3A_20 = tpu.memref_slice %arg2[%add3A_5] : memref<50000xi32, #tpu.memory_space<hbm>> -> memref<784xi32, #tpu.memory_space<hbm>>
      %dma_wait3A_21 = tpu.memref_slice %arg2[%add3A_5] : memref<50000xi32, #tpu.memory_space<hbm>> -> memref<784xi32, #tpu.memory_space<hbm>>
      tpu.wait_dma2 semaphore(%run_scoped3A : memref<!tpu.dma_semaphore, #tpu.memory_space<semaphore_mem>>) src(%dma_wait3A_21 : memref<784xi32, #tpu.memory_space<hbm>>) dst(%arg5 : memref<784xi32, #tpu.memory_space<vmem>>)
      tpu.yield
    }) : () -> ()
    %dma_start3A = arith.constant 0 : i32
    %dma_start3A_6 = arith.constant 0 : i32
    %dma_start3A_7 = tpu.memref_slice %arg3[%dma_start3A, %dma_start3A_6] : memref<100x128xf32, #tpu.memory_space<hbm>> -> memref<100x128xf32, #tpu.memory_space<hbm>>
    tpu.enqueue_indirect_dma source(%dma_start3A_7 : memref<100x128xf32, #tpu.memory_space<hbm>>) target(%arg6 : memref<784x128xf32, #tpu.memory_space<vmem>>) offsets(%arg5 : memref<784xi32, #tpu.memory_space<vmem>>) semaphore(%arg7 : memref<!tpu.dma_semaphore, #tpu.memory_space<semaphore_mem>>)
    %dma_wait3A = arith.constant 0 : i32
    %dma_wait3A_8 = arith.constant 0 : i32
    %dma_wait3A_9 = tpu.memref_slice %arg3[%dma_wait3A, %dma_wait3A_8] : memref<100x128xf32, #tpu.memory_space<hbm>> -> memref<100x128xf32, #tpu.memory_space<hbm>>
    tpu.wait_indirect_dma semaphore(%arg7 : memref<!tpu.dma_semaphore, #tpu.memory_space<semaphore_mem>>) src(%dma_wait3A_9 : memref<100x128xf32, #tpu.memory_space<hbm>>) dst(%arg6 : memref<784x128xf32, #tpu.memory_space<vmem>>)
    "tpu.region"() ({
      %run_scoped3A = tpu.sem_alloc : memref<!tpu.dma_semaphore, #tpu.memory_space<semaphore_mem>>
      %dma_start3A_18 = arith.constant 0 : i32
      %dma_start3A_19 = tpu.memref_slice %arg4[%add3A_5, %dma_start3A_18] : memref<50000x128xf32, #tpu.memory_space<hbm>> -> memref<784x128xf32, #tpu.memory_space<hbm>>
      %dma_start3A_20 = arith.constant 0 : i32
      %dma_start3A_21 = tpu.memref_slice %arg4[%add3A_5, %dma_start3A_20] : memref<50000x128xf32, #tpu.memory_space<hbm>> -> memref<784x128xf32, #tpu.memory_space<hbm>>
      tpu.enqueue_dma source(%arg6 : memref<784x128xf32, #tpu.memory_space<vmem>>) target(%dma_start3A_21 : memref<784x128xf32, #tpu.memory_space<hbm>>) target_semaphore(%run_scoped3A : memref<!tpu.dma_semaphore, #tpu.memory_space<semaphore_mem>>)
      %dma_wait3A_22 = arith.constant 0 : i32
      %dma_wait3A_23 = tpu.memref_slice %arg4[%add3A_5, %dma_wait3A_22] : memref<50000x128xf32, #tpu.memory_space<hbm>> -> memref<784x128xf32, #tpu.memory_space<hbm>>
      %dma_wait3A_24 = arith.constant 0 : i32
      %dma_wait3A_25 = tpu.memref_slice %arg4[%add3A_5, %dma_wait3A_24] : memref<50000x128xf32, #tpu.memory_space<hbm>> -> memref<784x128xf32, #tpu.memory_space<hbm>>
      tpu.wait_dma2 semaphore(%run_scoped3A : memref<!tpu.dma_semaphore, #tpu.memory_space<semaphore_mem>>) src(%arg6 : memref<784x128xf32, #tpu.memory_space<vmem>>) dst(%dma_wait3A_25 : memref<784x128xf32, #tpu.memory_space<hbm>>)
      tpu.yield
    }) : () -> ()
    %add3A_10 = arith.constant 784 : i32
    %add3A_11 = arith.addi %min3A_3, %add3A_10 : i32
    "tpu.region"() ({
      %run_scoped3A = tpu.sem_alloc : memref<!tpu.dma_semaphore, #tpu.memory_space<semaphore_mem>>
      %dma_start3A_18 = tpu.memref_slice %arg2[%add3A_11] : memref<50000xi32, #tpu.memory_space<hbm>> -> memref<784xi32, #tpu.memory_space<hbm>>
      %dma_start3A_19 = tpu.memref_slice %arg2[%add3A_11] : memref<50000xi32, #tpu.memory_space<hbm>> -> memref<784xi32, #tpu.memory_space<hbm>>
      tpu.enqueue_dma source(%dma_start3A_19 : memref<784xi32, #tpu.memory_space<hbm>>) target(%arg5 : memref<784xi32, #tpu.memory_space<vmem>>) target_semaphore(%run_scoped3A : memref<!tpu.dma_semaphore, #tpu.memory_space<semaphore_mem>>)
      %dma_wait3A_20 = tpu.memref_slice %arg2[%add3A_11] : memref<50000xi32, #tpu.memory_space<hbm>> -> memref<784xi32, #tpu.memory_space<hbm>>
      %dma_wait3A_21 = tpu.memref_slice %arg2[%add3A_11] : memref<50000xi32, #tpu.memory_space<hbm>> -> memref<784xi32, #tpu.memory_space<hbm>>
      tpu.wait_dma2 semaphore(%run_scoped3A : memref<!tpu.dma_semaphore, #tpu.memory_space<semaphore_mem>>) src(%dma_wait3A_21 : memref<784xi32, #tpu.memory_space<hbm>>) dst(%arg5 : memref<784xi32, #tpu.memory_space<vmem>>)
      tpu.yield
    }) : () -> ()
    %dma_start3A_12 = arith.constant 0 : i32
    %dma_start3A_13 = arith.constant 0 : i32
    %dma_start3A_14 = tpu.memref_slice %arg3[%dma_start3A_12, %dma_start3A_13] : memref<100x128xf32, #tpu.memory_space<hbm>> -> memref<100x128xf32, #tpu.memory_space<hbm>>
    tpu.enqueue_indirect_dma source(%dma_start3A_14 : memref<100x128xf32, #tpu.memory_space<hbm>>) target(%arg6 : memref<784x128xf32, #tpu.memory_space<vmem>>) offsets(%arg5 : memref<784xi32, #tpu.memory_space<vmem>>) semaphore(%arg7 : memref<!tpu.dma_semaphore, #tpu.memory_space<semaphore_mem>>)
    %dma_wait3A_15 = arith.constant 0 : i32
    %dma_wait3A_16 = arith.constant 0 : i32
    %dma_wait3A_17 = tpu.memref_slice %arg3[%dma_wait3A_15, %dma_wait3A_16] : memref<100x128xf32, #tpu.memory_space<hbm>> -> memref<100x128xf32, #tpu.memory_space<hbm>>
    tpu.wait_indirect_dma semaphore(%arg7 : memref<!tpu.dma_semaphore, #tpu.memory_space<semaphore_mem>>) src(%dma_wait3A_17 : memref<100x128xf32, #tpu.memory_space<hbm>>) dst(%arg6 : memref<784x128xf32, #tpu.memory_space<vmem>>)
    "tpu.region"() ({
      %run_scoped3A = tpu.sem_alloc : memref<!tpu.dma_semaphore, #tpu.memory_space<semaphore_mem>>
      %dma_start3A_18 = arith.constant 0 : i32
      %dma_start3A_19 = tpu.memref_slice %arg4[%add3A_11, %dma_start3A_18] : memref<50000x128xf32, #tpu.memory_space<hbm>> -> memref<784x128xf32, #tpu.memory_space<hbm>>
      %dma_start3A_20 = arith.constant 0 : i32
      %dma_start3A_21 = tpu.memref_slice %arg4[%add3A_11, %dma_start3A_20] : memref<50000x128xf32, #tpu.memory_space<hbm>> -> memref<784x128xf32, #tpu.memory_space<hbm>>
      tpu.enqueue_dma source(%arg6 : memref<784x128xf32, #tpu.memory_space<vmem>>) target(%dma_start3A_21 : memref<784x128xf32, #tpu.memory_space<hbm>>) target_semaphore(%run_scoped3A : memref<!tpu.dma_semaphore, #tpu.memory_space<semaphore_mem>>)
      %dma_wait3A_22 = arith.constant 0 : i32
      %dma_wait3A_23 = tpu.memref_slice %arg4[%add3A_11, %dma_wait3A_22] : memref<50000x128xf32, #tpu.memory_space<hbm>> -> memref<784x128xf32, #tpu.memory_space<hbm>>
      %dma_wait3A_24 = arith.constant 0 : i32
      %dma_wait3A_25 = tpu.memref_slice %arg4[%add3A_11, %dma_wait3A_24] : memref<50000x128xf32, #tpu.memory_space<hbm>> -> memref<784x128xf32, #tpu.memory_space<hbm>>
      tpu.wait_dma2 semaphore(%run_scoped3A : memref<!tpu.dma_semaphore, #tpu.memory_space<semaphore_mem>>) src(%arg6 : memref<784x128xf32, #tpu.memory_space<vmem>>) dst(%dma_wait3A_25 : memref<784x128xf32, #tpu.memory_space<hbm>>)
      tpu.yield
    }) : () -> ()
    return
  }
}

module attributes {stable_mosaic.version = 14 : i64} {
  func.func @_rbf_body(%arg0: i32, %arg1: memref<1x16000xf32, #tpu.memory_space<vmem>>, %arg2: memref<100x1xf32, #tpu.memory_space<vmem>>, %arg3: memref<100x16000xf32, #tpu.memory_space<vmem>>) attributes {dimension_semantics = [#tpu.dimension_semantics<arbitrary>], iteration_bounds = array<i64: 50>, scalar_prefetch = 0 : i64, scratch_operands = 0 : i64, tpu.core_type = #tpu.core_type<tc>, window_params = [{transform_indices = @transform_0, window_bounds = array<i64: 1, 16000>}, {pipeline_mode = #tpu.pipeline_mode<synchronous>, transform_indices = @transform_1, window_bounds = array<i64: 100, 1>}, {transform_indices = @transform_2, window_bounds = array<i64: 100, 16000>}]} {
    %get3A = arith.constant 0 : index
    %get3A_0 = arith.constant 0 : index
    %get3A_1 = vector.load %arg1[%get3A, %get3A_0] : memref<1x16000xf32, #tpu.memory_space<vmem>>, vector<1x16000xf32>
    %get3A_2 = arith.constant 0 : index
    %get3A_3 = arith.constant 0 : index
    %get3A_4 = vector.load %arg2[%get3A_2, %get3A_3] : memref<100x1xf32, #tpu.memory_space<vmem>>, vector<100x1xf32>
    %sub3A = vector.broadcast %get3A_1 : vector<1x16000xf32> to vector<100x16000xf32>
    %sub3A_5 = vector.broadcast %get3A_4 : vector<100x1xf32> to vector<100x16000xf32>
    %sub3A_6 = arith.subf %sub3A, %sub3A_5 : vector<100x16000xf32>
    %mul3A = arith.mulf %sub3A_6, %sub3A_6 : vector<100x16000xf32>
    %neg3A = arith.constant 0.000000e+00 : f32
    %neg3A_7 = vector.broadcast %neg3A : f32 to vector<100x16000xf32>
    %neg3A_8 = arith.subf %neg3A_7, %mul3A : vector<100x16000xf32>
    %exp23A = math.exp2 %neg3A_8 : vector<100x16000xf32>
    %swap3A = arith.constant 0 : index
    %swap3A_9 = arith.constant 0 : index
    %swap3A_10 = vector.load %arg3[%swap3A, %swap3A_9] : memref<100x16000xf32, #tpu.memory_space<vmem>>, vector<100x16000xf32>
    tpu.vector_store %arg3[%swap3A, %swap3A_9], %exp23A {strides = array<i32>} : memref<100x16000xf32, #tpu.memory_space<vmem>>, vector<100x16000xf32>,
    return
  }
  func.func @transform_0(%arg0: i32) -> (i32, i32) {
    %c0_i32 = arith.constant 0 : i32
    %c0_i32_0 = arith.constant 0 : i32
    return %c0_i32, %arg0 : i32, i32
  }
  func.func @transform_1(%arg0: i32) -> (i32, i32) {
    %c0_i32 = arith.constant 0 : i32
    %c0_i32_0 = arith.constant 0 : i32
    %c0_i32_1 = arith.constant 0 : i32
    return %c0_i32, %c0_i32_0 : i32, i32
  }
  func.func @transform_2(%arg0: i32) -> (i32, i32) {
    %c0_i32 = arith.constant 0 : i32
    %c0_i32_0 = arith.constant 0 : i32
    return %c0_i32, %arg0 : i32, i32
  }
}

</mosaic_0001>

<sc_bundles>
// kernel: kernel.4.cloned.1.call-start
scs
__scs_entry_jumppad:
0x0: {  	(pc) =	sbr.rel $0x88, $3  }
0x1: {  	(tag) =	ssettag $0x0;
	lr =	simm.s32 $0x1  }
0x2: {  	[smem:$0x3F9D] =	sst lr;
	_ =	strace $0xD0000000  }
0x3: {  	_ = 	snop  }
0x4: {  	_ = 	snop  }
0x5: {  	_ = 	snop  }
0x6: {  	_ = 	snop  }
0x7: {  	_ = 	snop  }
__scs_overlays_trampoline_lowered:
0x8: {  	[smem:$0x3FAC] =	sst s0  }
0x9: {  	[smem:$0x3FAD] =	sst s1  }
0xa: {  	[smem:$0x3FAE] =	sst s2  }
0xb: {  	[smem:$0x3FAF] =	sst s3  }
0xc: {  	[smem:$0x3FB0] =	sst s4  }
0xd: {  	[smem:$0x3FB1] =	sst s5  }
0xe: {  	[smem:$0x3FB2] =	sst s6  }
0xf: {  	[smem:$0x3FB3] =	sst s7  }
0x10: {  	[smem:$0x3FB4] =	sst s8  }
0x11: {  	[smem:$0x3FB5] =	sst s9;
	s0 =	simm.s32 @!p0 $0x0  }
0x12: {  	s1 =	sld [smem:$0x3F9B];
	s0 =	simm.s32 @p0 $0x1  }
0x13: {  	[smem:$0x3FB6] =	sst s0;
	s0 =	simm.s32 @!p1 $0x0  }
0x14: {  	s2 =	sld [smem:$0x3F9A];
	s0 =	simm.s32 @p1 $0x1  }
0x15: {  	[smem:$0x3FB7] =	sst s0;
	s0 =	simm.s32 @!p2 $0x0  }
0x16: {  	s3 =	sld [smem:$0x3FDB];
	s0 =	simm.s32 @p2 $0x1  }
0x17: {  	s4 =	simm.s32 $0x1BF5;
	[smem:$0x3FB9] =	sst s0  }
0x18: {  	s0 =	sld [smem:$0x3F9C];
	_ =	swait.ge [sflag:s4], $0x0  }
0x19: {  	s7 =	sld [smem:$0x3F9D]  }
0x1a: {  	s8 =	sadd.s32 $0xFFFFE003, lr  }
0x1b: {  	s9 =	sadd.s32 $0xFFFFFEF7, lr;
	s5 =	simm.s32 $0xFFFFFFFF;
	p2 =	slt.u32 s8, $0xFFFFF086  }
0x1c: {  	p1 =	slt.u32 s9, $0xF7A;
	s5 =	simm.s32 @!p2 $0x0  }
0x1d: {  	s5 =	simm.s32 @p1 $0x1;
	p0 =	seq.s32 s7, s2  }
0x1e: {  	s7 =	smul.u32 @!p0 $0xF7A, s2;
	p2 =	seq.s32 @!p0 s5, $0x0  }
0x1f: {  	s9 =	smul.u32 $0xF7A, s1;
	s8 =	simm.s32 @!p0 $0x1BF5;
	p2 =	por !p2, p0  }
0x20: {  	[sflag:s8] =	ssyncset.s32 @!p0 $0xFFFFF086;
	s6 =	sadd.s32 @!p0 s3, s7;
	s7 =	simm.s32 @!p0 $0x108  }
0x21: {  	s3 =	sadd.s32 s3, s9;
	s6 =	sadd.s32 @!p0 $0x88, s6;
	s7 =	simm.s32 @p2 $0x1082  }
0x22: {  	[simem:s7], [sflag:s8] =	dma.local @!p0 [hbm:s6], $0xF7A  }
0x23: {  	s9 =	sor.u32 $0xD0000000, s2;
	s6 =	simm.s32 $0x108;
	_ =	swait.ge @!p0 [sflag:s8], $0x0  }
0x24: {  	s3 =	sadd.s32 $0x88, s3;
	s6 =	simm.s32 @!p1 $0x1082;
	[sflag:s4] =	ssyncset.s32 $0xFFFFF086  }
0x25: {  	[simem:s6], [sflag:s4] =	dma.local [hbm:s3], $0xF7A  }
0x26: {  	[smem:$0x3F9D] =	sst s1;
	(tag) =	ssettag s2;
	_ =	strace s9  }
0x27: {  	s1 =	sld [smem:$0x3FAD]  }
0x28: {  	s2 =	sld [smem:$0x3FAE]  }
0x29: {  	s4 =	sld [smem:$0x3FB0]  }
0x2a: {  	p0 =	seq.s32 s5, $0x0;
	s5 =	sld [smem:$0x3FB1]  }
0x2b: {  	s6 =	sld [smem:$0x3FB2]  }
0x2c: {  	s7 =	sld [smem:$0x3FB3]  }
0x2d: {  	s3 =	simm.s32 $0x108;
	s8 =	sld [smem:$0x3FB4]  }
0x2e: {  	s3 =	simm.s32 @!p0 $0x1082;
	s9 =	sld [smem:$0x3FB5]  }
0x2f: {  	lr =	sadd.s32 s0, s3;
	s0 =	sld [smem:$0x3FAC]  }
0x30: {  	s3 =	sld [smem:$0x3FAF]  }
0x31: {  	[smem:$0x3FB8] =	sst s10  }
0x32: {  	s10 =	sld [smem:$0x3FB6];
	_ =	sdelay $0x3  }
0x33: {  	p0 =	seq.s32 s10, $0x1;
	s10 =	sld [smem:$0x3FB8];
	_ =	sdelay $0x3  }
0x34: {  	[smem:$0x3FB8] =	sst s10  }
0x35: {  	s10 =	sld [smem:$0x3FB7];
	_ =	sdelay $0x3  }
0x36: {  	p1 =	seq.s32 s10, $0x1;
	s10 =	sld [smem:$0x3FB8];
	_ =	sdelay $0x3  }
0x37: {  	[smem:$0x3FB8] =	sst s10  }
0x38: {  	s10 =	sld [smem:$0x3FB9]  }
0x39: {  	_ = 	snop;
	(pc) =	sbr.ind lr, $3  }
0x3a: {  	_ = 	snop  }
0x3b: {  	_ = 	snop  }
0x3c: {  	p2 =	seq.s32 s10, $0x1;
	s10 =	sld [smem:$0x3FB8]  }
0x3d: {  	_ =	shalt  }
0x3e: {  	_ =	shalt  }
0x3f: {  	_ =	shalt  }
0x40: {  	_ =	shalt  }
0x41: {  	_ =	shalt  }
0x42: {  	_ =	shalt  }
0x43: {  	_ =	shalt  }
0x44: {  	_ =	shalt  }
0x45: {  	_ =	shalt  }
0x46: {  	_ =	shalt  }
0x47: {  	_ =	shalt  }
0x48: {  	_ =	shalt  }
0x49: {  	_ =	shalt  }
0x4a: {  	_ =	shalt  }
0x4b: {  	_ =	shalt  }
0x4c: {  	_ =	shalt  }
0x4d: {  	_ =	shalt  }
0x4e: {  	_ =	shalt  }
0x4f: {  	_ =	shalt  }
0x50: {  	_ =	shalt  }
0x51: {  	_ =	shalt  }
0x52: {  	_ =	shalt  }
0x53: {  	_ =	shalt  }
0x54: {  	_ =	shalt  }
0x55: {  	_ =	shalt  }
0x56: {  	_ =	shalt  }
0x57: {  	_ =	shalt  }
0x58: {  	_ =	shalt  }
0x59: {  	_ =	shalt  }
0x5a: {  	_ =	shalt  }
0x5b: {  	_ =	shalt  }
0x5c: {  	_ =	shalt  }
0x5d: {  	_ =	shalt  }
0x5e: {  	_ =	shalt  }
0x5f: {  	_ =	shalt  }
0x60: {  	_ =	shalt  }
0x61: {  	_ =	shalt  }
0x62: {  	_ =	shalt  }
0x63: {  	_ =	shalt  }
0x64: {  	_ =	shalt  }
0x65: {  	_ =	shalt  }
0x66: {  	_ =	shalt  }
0x67: {  	_ =	shalt  }
0x68: {  	_ =	shalt  }
0x69: {  	_ =	shalt  }
0x6a: {  	_ =	shalt  }
0x6b: {  	_ =	shalt  }
0x6c: {  	_ =	shalt  }
0x6d: {  	_ =	shalt  }
0x6e: {  	_ =	shalt  }
0x6f: {  	_ =	shalt  }
0x70: {  	_ =	shalt  }
0x71: {  	_ =	shalt  }
0x72: {  	_ =	shalt  }
0x73: {  	_ =	shalt  }
0x74: {  	_ =	shalt  }
0x75: {  	_ =	shalt  }
0x76: {  	_ =	shalt  }
0x77: {  	_ =	shalt  }
0x78: {  	_ =	shalt  }
0x79: {  	_ =	shalt  }
0x7a: {  	_ =	shalt  }
0x7b: {  	_ =	shalt  }
0x7c: {  	_ =	shalt  }
0x7d: {  	_ =	shalt  }
0x7e: {  	_ =	shalt  }
0x7f: {  	_ =	shalt  }
0x80: {  	_ =	shalt  }
0x81: {  	_ =	shalt  }
0x82: {  	_ =	shalt  }
0x83: {  	_ =	shalt  }
0x84: {  	_ =	shalt  }
0x85: {  	_ =	shalt  }
0x86: {  	_ =	shalt  }
0x87: {  	_ =	shalt  }
.Lfunc_end0:
.L_simem_size_0:
called_computation_lowered:
.L_overlay_start_0:
0x88: {  	s2 =	sld [smem:$0x3FD9]  }
0x89: {  	s3 =	sld [smem:$0x3FFE];
	_ =	sdelay $0x1  }
0x8a: {  	s1 =	srdreg.scid  }
0x8b: {  	s0 =	sand.u32 $0x1, s1  }
0x8c: {  	s15 =	sshll.u32 s0, $0xA;
	s2 =	sadd.s32 s3, s2  }
0x8d: {  	s2 =	sadd.s32 s2, s15  }
0x8e: {  	[smem:$0x3FC4] =	sst s2  }
0x8f: {  	_ = 	snop  }
0x90: {  	s2 =	sld [smem:$0x3FD0];
	_ =	sdelay $0x1  }
0x91: {  	s16 =	sld [smem:$0x3FC9]  }
0x92: {  	s5 =	simm.s32 $0xA;
	s6 =	simm.s32 $0x10;
	s4 =	sld [smem:$0x3FC6]  }
0x93: {  	[smem:s6], [sflag:s5] =	dma.local [hbm:s2], $0x1  }
0x94: {  	_ =	swait.eq [sflag:s5], $0x1  }
0x95: {  	[sflag:s5] =	ssyncset.done $0x0  }
0x96: {  	[sflag:s5] =	ssyncadd.s32 $0xFFFFFFFF  }
0x97: {  	s17 =	sld [smem:$0x10];
	(tm) =	ssettm $0x1  }
0x98: {  	s18 =	sld [smem:$0x3FFB];
	_ =	sdelay $0x3  }
0x99: {  	_ =	strace s18  }
0x9a: {  	s5 =	sld [smem:$0x3FFC];
	_ =	sdelay $0x3  }
0x9b: {  	_ =	strace s5  }
0x9c: {  	s5 =	sld [smem:$0x3FFD];
	_ =	sdelay $0x3  }
0x9d: {  	_ =	strace s5  }
0x9e: {  	_ =	strace $0x8FFFFFFF  }
0x9f: {  	s19 =	sld [smem:$0x3FDB];
	_ =	sdelay $0x1  }
0xa0: {  	s20 =	simm.s32 $_scs_section_size  }
0xa1: {  	s7 =	simm.s32 $_size__tile_overlayer_lowered;
	s8 =	simm.s32 $_tile_overlayer_lowered  }
0xa2: {  	s23 =	simm.s32 $0x1BFF;
	s22 =	sshll.u32 s8, $0x1;
	s5 =	sadd.s32 s20, s19  }
0xa3: {  	s9 =	simm.s32 $0x0;
	s21 =	sshll.u32 s7, $0x1;
	s7 =	sadd.s32 s22, s5  }
0xa4: {  	[timem:s9], [sflag:s23] =	dma.local [hbm:s7], s21  }
0xa5: {  	_ =	swait.ge [sflag:s23], s21  }
0xa6: {  	s6 =	ssub.s32 $0x0, s21;
	[sflag:s23] =	ssyncset.done $0x0  }
0xa7: {  	[sflag:s23] =	ssyncadd.s32 s6;
	_ =	sdelay $0x1  }
0xa8: {  	s24 =	simm.s32 $0x1B8B  }
0xa9: {  	_ =	swait.ge [sflag:s24], $0x1  }
0xaa: {  	[sflag:s24] =	ssyncset.done $0x0  }
0xab: {  	s25 =	simm.s32 $0x1B8E;
	[sflag:s24] =	ssyncadd.s32 $0xFFFFFFFF  }
0xac: {  	s26 =	simm.s32 $execute0_lowered;
	[smem:$0x3FD2] =	sst s25  }
0xad: {  	s6 =	sshll.u32 s26, $0x1;
	_ =	strace $0x80000046;
	[dreg:$0x1] =	wrdreg $0xFFFFFFFF  }
0xae: {  	s28 =	simm.s32 $_size_execute0_lowered;
	s5 =	sadd.s32 s5, s6;
	[dreg:$0x0] =	wrdreg $0x0  }
0xaf: {  	s6 =	sshll.u32 s28, $0x1;
	[dreg:$0x2] =	wrdreg s5  }
0xb0: {  	[dreg:$0x3] =	wrdreg s6  }
0xb1: {  	[dreg:$0x4] =	wrdreg $0xC0  }
0xb2: {  	_ =	task [dreg:s9], $0x5FFFF  }
0xb3: {  	[dreg:$0x1] =	wrdreg $0xFFFFFFFF  }
0xb4: {  	[dreg:$0x0] =	wrdreg $0x60  }
0xb5: {  	[dreg:$0x2] =	wrdreg s16  }
0xb6: {  	[dreg:$0x3] =	wrdreg s4  }
0xb7: {  	[dreg:$0x4] =	wrdreg s17  }
0xb8: {  	[dreg:$0x5] =	wrdreg $0x9  }
0xb9: {  	_ =	task.clear_ibuf [dreg:s9], $0x6FFFF;
	_ =	strace $0x90000046  }
0xba: {  	s29 =	simm.s32 $0x9;
	_ =	strace $0x80000048  }
0xbb: {  	_ =	swait.ge [sflag:s29], $0x1  }
0xbc: {  	[sflag:s29] =	ssyncadd.s32 $0xFFFFFFFF  }
0xbd: {  	_ =	strace $0x90000048  }
0xbe: {  	_ =	sfence  }
0xbf: {  	s30 =	sld [smem:$0x0];
	_ =	sdelay $0x2  }
0xc0: {  	s31 =	sshll.u32 s1, $0xD;
	s1 =	sshrl.u32 s1, $0x2  }
0xc1: {  	s3 =	sand.u32 $0x4000, s31;
	s1 =	sadd.s32 s1, s30  }
0xc2: {  	s0 =	sor.u32 s3, s0;
	s1 =	sshll.u32 s1, $0x11  }
0xc3: {  	s0 =	sor.u32 s1, s0  }
0xc4: {  	s0 =	sadd.s32 $0x8F2B, s0  }
0xc5: {  	[sflag:s0] =	ssyncadd.remote.s32 $0x1  }
0xc6: {  	_ =	sfence.sel $0xFFFF  }
0xc7: {  	[dreg:$0x0] =	wrdreg $0xFFFFFFFF;
	(pc) =	sbr.abs _section_cstart, $3  }
0xc8: {  	[dreg:$0x1] =	wrdreg $0xFFFFFFFF  }
0xc9: {  	_ =	task.clear_ibuf [dreg:s9], $0x2FFFF;
	_ =	strace $0x9FFFFFFF  }
0xca: {  	(tm) =	ssettm $0x7FFFFFFF  }
0xcb: {  	_ =	shalt  }
tec
execute0_lowered:
.L_overlay_start_1:
0x0: {  	(tag) =	ssettag $0x1  }
0x1: {  	s1 =	srdreg.scid;
	s0 =	stileid.u32  }
0x2: {  	s11 =	sand.u32 $0x1, s1;
	s28 =	sshll.u32 s0, $0x1  }
0x3: {  	s10 =	rddreg [dreg:$0x0];
	s1 =	sor.u32 s11, s28  }
0x4: {  	s2 =	rddreg [dreg:$0x1];
	s4 =	smul.u32 $0x620, s1  }
0x5: {  	s12 =	rddreg [dreg:$0x2];
	s3 =	simm.s32 $0x0  }
0x6: {  	[smem:$0x7FF] =	sst s3;
	s13 =	smin.u32 s4, $0xBD30  }
0x7: {  	s1 =	rddreg [dreg:$0x3];
	s4 =	sshrl.u32 s13, $0x3  }
0x8: {  	_ =	strace $0x80000047;
	s5 =	sadd.s32 s10, s4;
	s4 =	simm.s32 $0x2  }
0x9: {  	[tilespmem:s3], [sflag:$0x2] =	stream.linear.gather [hbm4b:s5+s3], $0x310, $0x38;
	[tilespmem:$0x18B80] =	vst v63  }
0xa: {  	_ =	swait.ge [sflag:s4], $0x310  }
0xb: {  	s6 =	simm.s32 $0x310;
	[sflag:s4] =	ssyncset.done $0x0  }
0xc: {  	s7 =	simm.s32 $0x380;
	s8 =	simm.s32 $0x1;
	[sflag:s4] =	ssyncadd.s32 $0xFFFFFCF0  }
0xd: {  	[tilespmem:s7], [sflag:$0x1] =	stream.indirect.gather [hbm4b:s2+s6], $0x80, s3, s6, $0xb8;
	[tilespmem:$0x18B80] =	vst v63  }
0xe: {  	_ =	swait.ge [sflag:s8], $0x18800  }
0xf: {  	s9 =	sshll.u32 s13, $0x4;
	[sflag:s8] =	ssyncset.done $0x0  }
0x10: {  	s9 =	sadd.s32 s12, s9;
	[sflag:s8] =	ssyncadd.s32 $0xFFFE7800  }
0x11: {  	[hbm4b:s9+s3] =	stream.linear.scatter [tilespmem:s7], [sflag:$0x2], $0x18800, $0x38;
	[tilespmem:$0x18B80] =	vst v63  }
0x12: {  	s13 =	sadd.s32 $0x310, s13;
	_ =	swait.ge [sflag:s4], $0x18800  }
0x13: {  	s14 =	sshrl.u32 s13, $0x3;
	[sflag:s4] =	ssyncset.done $0x0  }
0x14: {  	s11 =	ssub.s32 $0x2, s11;
	s10 =	sadd.s32 s10, s14;
	[sflag:s4] =	ssyncadd.s32 $0xFFFE7800  }
0x15: {  	[tilespmem:s3], [sflag:$0x2] =	stream.linear.gather [hbm4b:s10+s3], $0x310, $0x38;
	[tilespmem:$0x18B80] =	vst v63  }
0x16: {  	s29 =	sshrl.u32 s11, $0x1;
	_ =	swait.ge [sflag:s4], $0x310  }
0x17: {  	s14 =	ssub.s32 s11, s29;
	[sflag:s4] =	ssyncset.done $0x0  }
0x18: {  	s31 =	smax.u32 s14, $0x1;
	[sflag:s4] =	ssyncadd.s32 $0xFFFFFCF0  }
0x19: {  	[tilespmem:s7], [sflag:$0x1] =	stream.indirect.gather [hbm4b:s2+s6], $0x80, s3, s6, $0xb8;
	[tilespmem:$0x18B80] =	vst v63  }
0x1a: {  	p0 =	sne.s32 s31, $0x1;
	_ =	swait.ge [sflag:s8], $0x18800  }
.Ltmp0:
0x1b: {  	s30 =	sshll.u32 s13, $0x4;
	[sflag:s8] =	ssyncset.done $0x0;
	(pc) =	sbr.rel @!p0 .LBB2_2-.Ltmp0, $4  }
0x1c: {  	s11 =	sadd.s32 s12, s30;
	[sflag:s8] =	ssyncadd.s32 $0xFFFE7800  }
0x1d: {  	[hbm4b:s11+s3] =	stream.linear.scatter [tilespmem:s7], [sflag:$0x2], $0x18800, $0x38;
	[tilespmem:$0x18B80] =	vst v63  }
0x1e: {  	_ =	swait.ge [sflag:s4], $0x18800  }
0x1f: {  	s12 =	sadd.s32 $0xFFFFFFFF, s31;
	[sflag:s4] =	ssyncset.done $0x0  }
.LBB2_1:
0x20: {  	p0 =	sne.s32 s12, $0x1;
	s12 =	sadd.s32 $0xFFFFFFFF, s12;
	[sflag:s4] =	ssyncadd.s32 $0xFFFE7800  }
0x21: {  	[tilespmem:s3], [sflag:$0x2] =	stream.linear.gather [hbm4b:s5+s3], $0x310, $0x38;
	[tilespmem:$0x18B80] =	vst v63  }
0x22: {  	_ =	swait.ge [sflag:s4], $0x310  }
0x23: {  	[sflag:s4] =	ssyncset.done $0x0  }
0x24: {  	[sflag:s4] =	ssyncadd.s32 $0xFFFFFCF0  }
0x25: {  	[tilespmem:s7], [sflag:$0x1] =	stream.indirect.gather [hbm4b:s2+s6], $0x80, s3, s6, $0xb8;
	[tilespmem:$0x18B80] =	vst v63  }
0x26: {  	_ =	swait.ge [sflag:s8], $0x18800  }
0x27: {  	[sflag:s8] =	ssyncset.done $0x0  }
0x28: {  	[sflag:s8] =	ssyncadd.s32 $0xFFFE7800  }
0x29: {  	[hbm4b:s9+s3] =	stream.linear.scatter [tilespmem:s7], [sflag:$0x2], $0x18800, $0x38;
	[tilespmem:$0x18B80] =	vst v63  }
0x2a: {  	_ =	swait.ge [sflag:s4], $0x18800  }
0x2b: {  	[sflag:s4] =	ssyncset.done $0x0  }
0x2c: {  	[sflag:s4] =	ssyncadd.s32 $0xFFFE7800  }
0x2d: {  	[tilespmem:s3], [sflag:$0x2] =	stream.linear.gather [hbm4b:s10+s3], $0x310, $0x38;
	[tilespmem:$0x18B80] =	vst v63  }
0x2e: {  	_ =	swait.ge [sflag:s4], $0x310  }
0x2f: {  	[sflag:s4] =	ssyncset.done $0x0  }
0x30: {  	[sflag:s4] =	ssyncadd.s32 $0xFFFFFCF0  }
0x31: {  	[tilespmem:s7], [sflag:$0x1] =	stream.indirect.gather [hbm4b:s2+s6], $0x80, s3, s6, $0xb8;
	[tilespmem:$0x18B80] =	vst v63  }
0x32: {  	_ =	swait.ge [sflag:s8], $0x18800  }
.Ltmp1:
0x33: {  	[sflag:s8] =	ssyncset.done $0x0;
	(pc) =	sbr.rel @p0 .LBB2_1-.Ltmp1, $4  }
0x34: {  	[sflag:s8] =	ssyncadd.s32 $0xFFFE7800  }
0x35: {  	[hbm4b:s11+s3] =	stream.linear.scatter [tilespmem:s7], [sflag:$0x2], $0x18800, $0x38;
	[tilespmem:$0x18B80] =	vst v63  }
0x36: {  	_ =	swait.ge [sflag:s4], $0x18800  }
0x37: {  	[sflag:s4] =	ssyncset.done $0x0  }
.LBB2_2:
0x38: {  	[sflag:s4] =	ssyncadd.s32 $0xFFFE7800  }
0x39: {  	_ =	sfence.sel $0x180000  }
0x3a: {  	[bflag:$0x0] =	sbarrier.arrive $0xFFFF  }
0x3b: {  	p0 =	sne.s32 s0, $0x0;
	_ =	strace $0x90000047  }
0x3c: {  	s0 =	sadd.s32 @!p0 $0x100000, s1;
	[bflag:$0x2] =	sbarrier.arrive $0xFFFF  }
0x3d: {  	[sflag:s0] =	ssyncadd.tile.s32 @!p0 $0x1;
	_ =	shalt  }
.Lfunc_end2:
_tile_overlayer_lowered:
.L_overlay_start_2:
0x3e: {  	(tag) =	ssettag $0x2  }
0x3f: {  	s0 =	rddreg [dreg:$0x0];
	s2 =	stileid.u32  }
0x40: {  	s1 =	rddreg [dreg:$0x1];
	p0 =	sne.s32 s2, $0x0  }
0x41: {  	s3 =	rddreg [dreg:$0x2];
	[bflag:$0x3] =	sbarrier.arrive $0xFFFF;
	s2 =	simm.s32 @!p0 $0x1C02  }
0x42: {  	[timem:s3], [sflag:s2] =	dma.local @!p0 [hbm:s0], s1  }
0x43: {  	s0 =	simm.s32 @!p0 $0x2  }
0x44: {  	_ =	swait.ge @!p0 [sflag:s0], s1  }
0x45: {  	s1 =	ssub.s32 @!p0 $0x0, s1;
	[sflag:s0] =	ssyncset.done @!p0 $0x0  }
0x46: {  	[sflag:s0] =	ssyncadd.s32 @!p0 s1  }
0x47: {  	[bflag:$0x3] =	sbarrier.arrive $0xFFFF  }
0x48: {  	_ =	shalt  }

</sc_bundles>
